<compile_context>
chip_gen: v7x
topology: tpu7x:2x2x1
jax: 0.10.2.dev20260603
libtpu: 0.0.44.dev20260713+nightly
codegen_flags: <defaults>
</compile_context>

<pallas_src>
import functools

import jax
import jax.numpy as jnp
from jax import lax
from jax.experimental import pallas as pl
from jax.experimental.pallas import tpu as pltpu
from jax.experimental.pallas import tpu_sc as plsc

D = 8192
K = 4


@functools.lru_cache(maxsize=None)
def _make_kernel(B):
    info = plsc.get_sparse_core_info()
    nc, ns = info.num_cores, info.num_subcores
    nw = nc * ns
    b_per_w = B // nw
    n_chunks = b_per_w // K
    n_half = n_chunks // 2

    mesh = plsc.VectorSubcoreMesh(core_axis_name="c", subcore_axis_name="s")

    @functools.partial(
        pl.kernel,
        mesh=mesh,
        out_type=jax.ShapeDtypeStruct((B, D), jnp.float32),
        scratch_types=[
            pltpu.VMEM((n_chunks, K), jnp.int32),
            pltpu.VMEM((2, K, D), jnp.float32),
            pltpu.SemaphoreType.DMA,
            pltpu.SemaphoreType.DMA,
            pltpu.SemaphoreType.DMA,
            pltpu.SemaphoreType.DMA,
        ],
    )
    def gather_kernel(idx_hbm, table_hbm, out_hbm, idx_v, buf,
                      gsem0, gsem1, wsem0, wsem1):
        wid = lax.axis_index("s") * nc + lax.axis_index("c")
        base = wid * b_per_w
        gsems = (gsem0, gsem1)
        wsems = (wsem0, wsem1)
        pltpu.sync_copy(idx_hbm.at[wid], idx_v)

        def gather_start(g, b):
            pltpu.async_copy(table_hbm.at[idx_v.at[g]], buf.at[b], gsems[b])

        def gather_wait(g, b):
            pltpu.make_async_copy(
                table_hbm.at[idx_v.at[g]], buf.at[b], gsems[b]).wait()

        def write_start(g, b):
            pltpu.async_copy(
                buf.at[b], out_hbm.at[pl.ds(base + g * K, K)], wsems[b])

        def write_wait(g, b):
            pltpu.make_async_copy(
                buf.at[b], out_hbm.at[pl.ds(base + g * K, K)], wsems[b]).wait()

        gather_start(0, 0)
        gather_start(1, 1)

        def chunk_step(g, b, prefetch):
            gather_wait(g, b)
            write_start(g, b)
            if prefetch:
                write_wait(g, b)
                gather_start(g + 2, b)

        def body(i, carry):
            g = 2 * i
            chunk_step(g, 0, True)
            chunk_step(g + 1, 1, True)
            return carry

        lax.fori_loop(0, n_half - 1, body, 0)
        g_last = 2 * (n_half - 1)
        chunk_step(g_last, 0, False)
        chunk_step(g_last + 1, 1, False)
        write_wait(g_last, 0)
        write_wait(g_last + 1, 1)

    return gather_kernel, nw


def kernel(idx, table):
    b, s = idx.shape
    flat = b * s
    gather_kernel, nw = _make_kernel(flat)
    idx_r = idx.reshape(nw, (flat // nw) // K, K)
    out = gather_kernel(idx_r, table)
    return out.reshape(b, s, D)

# --- scband reference (transcript-rebuilt; emitter-appended) ---
"""Pipeline reference for scband-bigram-language-model-21217138442920 (READ-ONLY COPY).

The authoritative reference and input builder live on the scoring server;
editing this copy changes nothing except your own understanding.
"""

import jax, jax.numpy as jnp
import numpy as np

VOCAB = 8192
BATCH = 4
SEQ = 2048

def setup_inputs(seed: int = 0) -> dict:
    key = jax.random.key(seed)
    k_idx, k_tab = jax.random.split(key)
    idx = jax.random.randint(k_idx, (BATCH, SEQ), 0, VOCAB, dtype=jnp.int32)
    # nn.Embed(vocab_size, vocab_size): table of shape [vocab, vocab]
    table = jax.random.normal(k_tab, (VOCAB, VOCAB), dtype=jnp.float32) * 0.02
    return {"idx": idx, "table": table}

def reference(idx, table):
    # BigramLanguageModel.__call__: logits = token_embedding_table(idx)
    logits = jnp.take(table, idx, axis=0)  # [B, S, vocab]
    return logits

if __name__ == "__main__":
    import jax
    _d = setup_inputs()
    print(jax.jit(kernel)(*tuple(_d.values())))

</pallas_src>

<mosaic_0001>
#map = affine_map<(d0, d1) -> (0, 0, 0)>
#map1 = affine_map<(d0, d1) -> (0, 0)>
module attributes {stable_mosaic.version = 14 : i64} {
  func.func @gather_kernel(%arg0: i32, %arg1: i32, %arg2: memref<32x64x4xi32, #tpu.memory_space<hbm>>, %arg3: memref<8192x8192xf32, #tpu.memory_space<hbm>>, %arg4: memref<8192x8192xf32, #tpu.memory_space<hbm>>, %arg5: memref<64x4xi32, #tpu.memory_space<vmem>>, %arg6: memref<2x4x8192xf32, #tpu.memory_space<vmem>>, %arg7: memref<!tpu.dma_semaphore, #tpu.memory_space<semaphore_mem>>, %arg8: memref<!tpu.dma_semaphore, #tpu.memory_space<semaphore_mem>>, %arg9: memref<!tpu.dma_semaphore, #tpu.memory_space<semaphore_mem>>, %arg10: memref<!tpu.dma_semaphore, #tpu.memory_space<semaphore_mem>>) attributes {dimension_semantics = [#tpu.dimension_semantics<core_parallel>, #tpu.dimension_semantics<subcore_parallel>], iteration_bounds = array<i64: 2, 16>, scalar_prefetch = 0 : i64, scratch_operands = 6 : i64, tpu.core_type = #tpu.core_type<sc_vector_subcore>, window_params = [{transform_indices = #map}, {transform_indices = #map1}, {transform_indices = #map1}]} {
    %mul3A = arith.constant 2 : i32
    %mul3A_0 = arith.muli %arg1, %mul3A : i32
    %add3A = arith.addi %mul3A_0, %arg0 : i32
    %mul3A_1 = arith.constant 256 : i32
    %mul3A_2 = arith.muli %add3A, %mul3A_1 : i32
    "tpu.region"() ({
      %run_scoped3A = tpu.sem_alloc : memref<!tpu.dma_semaphore, #tpu.memory_space<semaphore_mem>>
      %dma_start3A_114 = arith.constant 0 : i32
      %dma_start3A_115 = arith.constant 0 : i32
      %dma_start3A_116 = tpu.memref_slice %arg2[%add3A, %dma_start3A_114, %dma_start3A_115] : memref<32x64x4xi32, #tpu.memory_space<hbm>> -> memref<1x64x4xi32, #tpu.memory_space<hbm>>
      %dma_start3A_117 = tpu.memref_squeeze %dma_start3A_116 : memref<1x64x4xi32, #tpu.memory_space<hbm>> -> memref<64x4xi32, #tpu.memory_space<hbm>>
      %dma_start3A_118 = arith.constant 0 : i32
      %dma_start3A_119 = arith.constant 0 : i32
      %dma_start3A_120 = tpu.memref_slice %arg2[%add3A, %dma_start3A_118, %dma_start3A_119] : memref<32x64x4xi32, #tpu.memory_space<hbm>> -> memref<1x64x4xi32, #tpu.memory_space<hbm>>
      %dma_start3A_121 = tpu.memref_squeeze %dma_start3A_120 : memref<1x64x4xi32, #tpu.memory_space<hbm>> -> memref<64x4xi32, #tpu.memory_space<hbm>>
      tpu.enqueue_dma source(%dma_start3A_121 : memref<64x4xi32, #tpu.memory_space<hbm>>) target(%arg5 : memref<64x4xi32, #tpu.memory_space<vmem>>) target_semaphore(%run_scoped3A : memref<!tpu.dma_semaphore, #tpu.memory_space<semaphore_mem>>)
      %dma_wait3A_122 = arith.constant 0 : i32
      %dma_wait3A_123 = arith.constant 0 : i32
      %dma_wait3A_124 = tpu.memref_slice %arg2[%add3A, %dma_wait3A_122, %dma_wait3A_123] : memref<32x64x4xi32, #tpu.memory_space<hbm>> -> memref<1x64x4xi32, #tpu.memory_space<hbm>>
      %dma_wait3A_125 = tpu.memref_squeeze %dma_wait3A_124 : memref<1x64x4xi32, #tpu.memory_space<hbm>> -> memref<64x4xi32, #tpu.memory_space<hbm>>
      %dma_wait3A_126 = arith.constant 0 : i32
      %dma_wait3A_127 = arith.constant 0 : i32
      %dma_wait3A_128 = tpu.memref_slice %arg2[%add3A, %dma_wait3A_126, %dma_wait3A_127] : memref<32x64x4xi32, #tpu.memory_space<hbm>> -> memref<1x64x4xi32, #tpu.memory_space<hbm>>
      %dma_wait3A_129 = tpu.memref_squeeze %dma_wait3A_128 : memref<1x64x4xi32, #tpu.memory_space<hbm>> -> memref<64x4xi32, #tpu.memory_space<hbm>>
      tpu.wait_dma2 semaphore(%run_scoped3A : memref<!tpu.dma_semaphore, #tpu.memory_space<semaphore_mem>>) src(%dma_wait3A_129 : memref<64x4xi32, #tpu.memory_space<hbm>>) dst(%arg5 : memref<64x4xi32, #tpu.memory_space<vmem>>)
      tpu.yield
    }) : () -> ()
    %dma_start3A = arith.constant 0 : i32
    %dma_start3A_3 = arith.constant 0 : i32
    %dma_start3A_4 = arith.constant 0 : i32
    %dma_start3A_5 = arith.constant 0 : i32
    %dma_start3A_6 = tpu.memref_slice %arg6[%dma_start3A_3, %dma_start3A_4, %dma_start3A_5] : memref<2x4x8192xf32, #tpu.memory_space<vmem>> -> memref<1x4x8192xf32, #tpu.memory_space<vmem>>
    %dma_start3A_7 = tpu.memref_squeeze %dma_start3A_6 : memref<1x4x8192xf32, #tpu.memory_space<vmem>> -> memref<4x8192xf32, #tpu.memory_space<vmem>>
    %dma_start3A_8 = arith.constant 0 : i32
    %dma_start3A_9 = tpu.memref_slice %arg5[%dma_start3A, %dma_start3A_8] : memref<64x4xi32, #tpu.memory_space<vmem>> -> memref<1x4xi32, #tpu.memory_space<vmem>>
    %dma_start3A_10 = tpu.memref_squeeze %dma_start3A_9 : memref<1x4xi32, #tpu.memory_space<vmem>> -> memref<4xi32, #tpu.memory_space<vmem>>
    %dma_start3A_11 = arith.constant 0 : i32
    %dma_start3A_12 = arith.constant 0 : i32
    %dma_start3A_13 = tpu.memref_slice %arg3[%dma_start3A_11, %dma_start3A_12] : memref<8192x8192xf32, #tpu.memory_space<hbm>> -> memref<8192x8192xf32, #tpu.memory_space<hbm>>
    tpu.enqueue_indirect_dma source(%dma_start3A_13 : memref<8192x8192xf32, #tpu.memory_space<hbm>>) target(%dma_start3A_7 : memref<4x8192xf32, #tpu.memory_space<vmem>>) offsets(%dma_start3A_10 : memref<4xi32, #tpu.memory_space<vmem>>) semaphore(%arg7 : memref<!tpu.dma_semaphore, #tpu.memory_space<semaphore_mem>>)
    %dma_start3A_14 = arith.constant 1 : i32
    %dma_start3A_15 = arith.constant 1 : i32
    %dma_start3A_16 = arith.constant 0 : i32
    %dma_start3A_17 = arith.constant 0 : i32
    %dma_start3A_18 = tpu.memref_slice %arg6[%dma_start3A_15, %dma_start3A_16, %dma_start3A_17] : memref<2x4x8192xf32, #tpu.memory_space<vmem>> -> memref<1x4x8192xf32, #tpu.memory_space<vmem>>
    %dma_start3A_19 = tpu.memref_squeeze %dma_start3A_18 : memref<1x4x8192xf32, #tpu.memory_space<vmem>> -> memref<4x8192xf32, #tpu.memory_space<vmem>>
    %dma_start3A_20 = arith.constant 0 : i32
    %dma_start3A_21 = tpu.memref_slice %arg5[%dma_start3A_14, %dma_start3A_20] : memref<64x4xi32, #tpu.memory_space<vmem>> -> memref<1x4xi32, #tpu.memory_space<vmem>>
    %dma_start3A_22 = tpu.memref_squeeze %dma_start3A_21 : memref<1x4xi32, #tpu.memory_space<vmem>> -> memref<4xi32, #tpu.memory_space<vmem>>
    %dma_start3A_23 = arith.constant 0 : i32
    %dma_start3A_24 = arith.constant 0 : i32
    %dma_start3A_25 = tpu.memref_slice %arg3[%dma_start3A_23, %dma_start3A_24] : memref<8192x8192xf32, #tpu.memory_space<hbm>> -> memref<8192x8192xf32, #tpu.memory_space<hbm>>
    tpu.enqueue_indirect_dma source(%dma_start3A_25 : memref<8192x8192xf32, #tpu.memory_space<hbm>>) target(%dma_start3A_19 : memref<4x8192xf32, #tpu.memory_space<vmem>>) offsets(%dma_start3A_22 : memref<4xi32, #tpu.memory_space<vmem>>) semaphore(%arg8 : memref<!tpu.dma_semaphore, #tpu.memory_space<semaphore_mem>>)
    %scan3A = arith.constant 0 : i32
    %scan3A_26 = arith.constant 0 : i32
    %scan3A_27 = arith.constant 31 : i32
    %scan3A_28 = arith.addi %scan3A_26, %scan3A_27 : i32
    %scan3A_29 = arith.constant 1 : i32
    scf.for %scan3A_114 = %scan3A_26 to %scan3A_28 step %scan3A_29  : i32 {
      %mul3A_115 = arith.constant 2 : i32
      %mul3A_116 = arith.muli %mul3A_115, %scan3A_114 : i32
      %dma_wait3A_117 = arith.constant 0 : i32
      %dma_wait3A_118 = arith.constant 0 : i32
      %dma_wait3A_119 = arith.constant 0 : i32
      %dma_wait3A_120 = tpu.memref_slice %arg6[%dma_wait3A_117, %dma_wait3A_118, %dma_wait3A_119] : memref<2x4x8192xf32, #tpu.memory_space<vmem>> -> memref<1x4x8192xf32, #tpu.memory_space<vmem>>
      %dma_wait3A_121 = tpu.memref_squeeze %dma_wait3A_120 : memref<1x4x8192xf32, #tpu.memory_space<vmem>> -> memref<4x8192xf32, #tpu.memory_space<vmem>>
      %dma_wait3A_122 = arith.constant 0 : i32
      %dma_wait3A_123 = tpu.memref_slice %arg5[%mul3A_116, %dma_wait3A_122] : memref<64x4xi32, #tpu.memory_space<vmem>> -> memref<1x4xi32, #tpu.memory_space<vmem>>
      %dma_wait3A_124 = tpu.memref_squeeze %dma_wait3A_123 : memref<1x4xi32, #tpu.memory_space<vmem>> -> memref<4xi32, #tpu.memory_space<vmem>>
      %dma_wait3A_125 = arith.constant 0 : i32
      %dma_wait3A_126 = arith.constant 0 : i32
      %dma_wait3A_127 = tpu.memref_slice %arg3[%dma_wait3A_125, %dma_wait3A_126] : memref<8192x8192xf32, #tpu.memory_space<hbm>> -> memref<8192x8192xf32, #tpu.memory_space<hbm>>
      tpu.wait_indirect_dma semaphore(%arg7 : memref<!tpu.dma_semaphore, #tpu.memory_space<semaphore_mem>>) src(%dma_wait3A_127 : memref<8192x8192xf32, #tpu.memory_space<hbm>>) dst(%dma_wait3A_121 : memref<4x8192xf32, #tpu.memory_space<vmem>>)
      %mul3A_128 = arith.constant 4 : i32
      %mul3A_129 = arith.muli %mul3A_116, %mul3A_128 : i32
      %add3A_130 = arith.addi %mul3A_2, %mul3A_129 : i32
      %dma_start3A_131 = arith.constant 0 : i32
      %dma_start3A_132 = arith.constant 0 : i32
      %dma_start3A_133 = arith.constant 0 : i32
      %dma_start3A_134 = tpu.memref_slice %arg6[%dma_start3A_131, %dma_start3A_132, %dma_start3A_133] : memref<2x4x8192xf32, #tpu.memory_space<vmem>> -> memref<1x4x8192xf32, #tpu.memory_space<vmem>>
      %dma_start3A_135 = tpu.memref_squeeze %dma_start3A_134 : memref<1x4x8192xf32, #tpu.memory_space<vmem>> -> memref<4x8192xf32, #tpu.memory_space<vmem>>
      %dma_start3A_136 = arith.constant 0 : i32
      %dma_start3A_137 = tpu.memref_slice %arg4[%add3A_130, %dma_start3A_136] : memref<8192x8192xf32, #tpu.memory_space<hbm>> -> memref<4x8192xf32, #tpu.memory_space<hbm>>
      %dma_start3A_138 = arith.constant 0 : i32
      %dma_start3A_139 = tpu.memref_slice %arg4[%add3A_130, %dma_start3A_138] : memref<8192x8192xf32, #tpu.memory_space<hbm>> -> memref<4x8192xf32, #tpu.memory_space<hbm>>
      %dma_start3A_140 = arith.constant 0 : i32
      %dma_start3A_141 = arith.constant 0 : i32
      %dma_start3A_142 = tpu.memref_slice %arg6[%dma_start3A_131, %dma_start3A_140, %dma_start3A_141] : memref<2x4x8192xf32, #tpu.memory_space<vmem>> -> memref<1x4x8192xf32, #tpu.memory_space<vmem>>
      %dma_start3A_143 = tpu.memref_squeeze %dma_start3A_142 : memref<1x4x8192xf32, #tpu.memory_space<vmem>> -> memref<4x8192xf32, #tpu.memory_space<vmem>>
      tpu.enqueue_dma source(%dma_start3A_143 : memref<4x8192xf32, #tpu.memory_space<vmem>>) target(%dma_start3A_139 : memref<4x8192xf32, #tpu.memory_space<hbm>>) target_semaphore(%arg9 : memref<!tpu.dma_semaphore, #tpu.memory_space<semaphore_mem>>)
      %mul3A_144 = arith.constant 4 : i32
      %mul3A_145 = arith.muli %mul3A_116, %mul3A_144 : i32
      %add3A_146 = arith.addi %mul3A_2, %mul3A_145 : i32
      %dma_wait3A_147 = arith.constant 0 : i32
      %dma_wait3A_148 = arith.constant 0 : i32
      %dma_wait3A_149 = arith.constant 0 : i32
      %dma_wait3A_150 = tpu.memref_slice %arg6[%dma_wait3A_147, %dma_wait3A_148, %dma_wait3A_149] : memref<2x4x8192xf32, #tpu.memory_space<vmem>> -> memref<1x4x8192xf32, #tpu.memory_space<vmem>>
      %dma_wait3A_151 = tpu.memref_squeeze %dma_wait3A_150 : memref<1x4x8192xf32, #tpu.memory_space<vmem>> -> memref<4x8192xf32, #tpu.memory_space<vmem>>
      %dma_wait3A_152 = arith.constant 0 : i32
      %dma_wait3A_153 = tpu.memref_slice %arg4[%add3A_146, %dma_wait3A_152] : memref<8192x8192xf32, #tpu.memory_space<hbm>> -> memref<4x8192xf32, #tpu.memory_space<hbm>>
      %dma_wait3A_154 = arith.constant 0 : i32
      %dma_wait3A_155 = tpu.memref_slice %arg4[%add3A_146, %dma_wait3A_154] : memref<8192x8192xf32, #tpu.memory_space<hbm>> -> memref<4x8192xf32, #tpu.memory_space<hbm>>
      %dma_wait3A_156 = arith.constant 0 : i32
      %dma_wait3A_157 = arith.constant 0 : i32
      %dma_wait3A_158 = tpu.memref_slice %arg6[%dma_wait3A_147, %dma_wait3A_156, %dma_wait3A_157] : memref<2x4x8192xf32, #tpu.memory_space<vmem>> -> memref<1x4x8192xf32, #tpu.memory_space<vmem>>
      %dma_wait3A_159 = tpu.memref_squeeze %dma_wait3A_158 : memref<1x4x8192xf32, #tpu.memory_space<vmem>> -> memref<4x8192xf32, #tpu.memory_space<vmem>>
      tpu.wait_dma2 semaphore(%arg9 : memref<!tpu.dma_semaphore, #tpu.memory_space<semaphore_mem>>) src(%dma_wait3A_159 : memref<4x8192xf32, #tpu.memory_space<vmem>>) dst(%dma_wait3A_155 : memref<4x8192xf32, #tpu.memory_space<hbm>>)
      %add3A_160 = arith.constant 2 : i32
      %add3A_161 = arith.addi %mul3A_116, %add3A_160 : i32
      %dma_start3A_162 = arith.constant 0 : i32
      %dma_start3A_163 = arith.constant 0 : i32
      %dma_start3A_164 = arith.constant 0 : i32
      %dma_start3A_165 = tpu.memref_slice %arg6[%dma_start3A_162, %dma_start3A_163, %dma_start3A_164] : memref<2x4x8192xf32, #tpu.memory_space<vmem>> -> memref<1x4x8192xf32, #tpu.memory_space<vmem>>
      %dma_start3A_166 = tpu.memref_squeeze %dma_start3A_165 : memref<1x4x8192xf32, #tpu.memory_space<vmem>> -> memref<4x8192xf32, #tpu.memory_space<vmem>>
      %dma_start3A_167 = arith.constant 0 : i32
      %dma_start3A_168 = tpu.memref_slice %arg5[%add3A_161, %dma_start3A_167] : memref<64x4xi32, #tpu.memory_space<vmem>> -> memref<1x4xi32, #tpu.memory_space<vmem>>
      %dma_start3A_169 = tpu.memref_squeeze %dma_start3A_168 : memref<1x4xi32, #tpu.memory_space<vmem>> -> memref<4xi32, #tpu.memory_space<vmem>>
      %dma_start3A_170 = arith.constant 0 : i32
      %dma_start3A_171 = arith.constant 0 : i32
      %dma_start3A_172 = tpu.memref_slice %arg3[%dma_start3A_170, %dma_start3A_171] : memref<8192x8192xf32, #tpu.memory_space<hbm>> -> memref<8192x8192xf32, #tpu.memory_space<hbm>>
      tpu.enqueue_indirect_dma source(%dma_start3A_172 : memref<8192x8192xf32, #tpu.memory_space<hbm>>) target(%dma_start3A_166 : memref<4x8192xf32, #tpu.memory_space<vmem>>) offsets(%dma_start3A_169 : memref<4xi32, #tpu.memory_space<vmem>>) semaphore(%arg7 : memref<!tpu.dma_semaphore, #tpu.memory_space<semaphore_mem>>)
      %add3A_173 = arith.constant 1 : i32
      %add3A_174 = arith.addi %mul3A_116, %add3A_173 : i32
      %dma_wait3A_175 = arith.constant 1 : i32
      %dma_wait3A_176 = arith.constant 0 : i32
      %dma_wait3A_177 = arith.constant 0 : i32
      %dma_wait3A_178 = tpu.memref_slice %arg6[%dma_wait3A_175, %dma_wait3A_176, %dma_wait3A_177] : memref<2x4x8192xf32, #tpu.memory_space<vmem>> -> memref<1x4x8192xf32, #tpu.memory_space<vmem>>
      %dma_wait3A_179 = tpu.memref_squeeze %dma_wait3A_178 : memref<1x4x8192xf32, #tpu.memory_space<vmem>> -> memref<4x8192xf32, #tpu.memory_space<vmem>>
      %dma_wait3A_180 = arith.constant 0 : i32
      %dma_wait3A_181 = tpu.memref_slice %arg5[%add3A_174, %dma_wait3A_180] : memref<64x4xi32, #tpu.memory_space<vmem>> -> memref<1x4xi32, #tpu.memory_space<vmem>>
      %dma_wait3A_182 = tpu.memref_squeeze %dma_wait3A_181 : memref<1x4xi32, #tpu.memory_space<vmem>> -> memref<4xi32, #tpu.memory_space<vmem>>
      %dma_wait3A_183 = arith.constant 0 : i32
      %dma_wait3A_184 = arith.constant 0 : i32
      %dma_wait3A_185 = tpu.memref_slice %arg3[%dma_wait3A_183, %dma_wait3A_184] : memref<8192x8192xf32, #tpu.memory_space<hbm>> -> memref<8192x8192xf32, #tpu.memory_space<hbm>>
      tpu.wait_indirect_dma semaphore(%arg8 : memref<!tpu.dma_semaphore, #tpu.memory_space<semaphore_mem>>) src(%dma_wait3A_185 : memref<8192x8192xf32, #tpu.memory_space<hbm>>) dst(%dma_wait3A_179 : memref<4x8192xf32, #tpu.memory_space<vmem>>)
      %mul3A_186 = arith.constant 4 : i32
      %mul3A_187 = arith.muli %add3A_174, %mul3A_186 : i32
      %add3A_188 = arith.addi %mul3A_2, %mul3A_187 : i32
      %dma_start3A_189 = arith.constant 1 : i32
      %dma_start3A_190 = arith.constant 0 : i32
      %dma_start3A_191 = arith.constant 0 : i32
      %dma_start3A_192 = tpu.memref_slice %arg6[%dma_start3A_189, %dma_start3A_190, %dma_start3A_191] : memref<2x4x8192xf32, #tpu.memory_space<vmem>> -> memref<1x4x8192xf32, #tpu.memory_space<vmem>>
      %dma_start3A_193 = tpu.memref_squeeze %dma_start3A_192 : memref<1x4x8192xf32, #tpu.memory_space<vmem>> -> memref<4x8192xf32, #tpu.memory_space<vmem>>
      %dma_start3A_194 = arith.constant 0 : i32
      %dma_start3A_195 = tpu.memref_slice %arg4[%add3A_188, %dma_start3A_194] : memref<8192x8192xf32, #tpu.memory_space<hbm>> -> memref<4x8192xf32, #tpu.memory_space<hbm>>
      %dma_start3A_196 = arith.constant 0 : i32
      %dma_start3A_197 = tpu.memref_slice %arg4[%add3A_188, %dma_start3A_196] : memref<8192x8192xf32, #tpu.memory_space<hbm>> -> memref<4x8192xf32, #tpu.memory_space<hbm>>
      %dma_start3A_198 = arith.constant 0 : i32
      %dma_start3A_199 = arith.constant 0 : i32
      %dma_start3A_200 = tpu.memref_slice %arg6[%dma_start3A_189, %dma_start3A_198, %dma_start3A_199] : memref<2x4x8192xf32, #tpu.memory_space<vmem>> -> memref<1x4x8192xf32, #tpu.memory_space<vmem>>
      %dma_start3A_201 = tpu.memref_squeeze %dma_start3A_200 : memref<1x4x8192xf32, #tpu.memory_space<vmem>> -> memref<4x8192xf32, #tpu.memory_space<vmem>>
      tpu.enqueue_dma source(%dma_start3A_201 : memref<4x8192xf32, #tpu.memory_space<vmem>>) target(%dma_start3A_197 : memref<4x8192xf32, #tpu.memory_space<hbm>>) target_semaphore(%arg10 : memref<!tpu.dma_semaphore, #tpu.memory_space<semaphore_mem>>)
      %mul3A_202 = arith.constant 4 : i32
      %mul3A_203 = arith.muli %add3A_174, %mul3A_202 : i32
      %add3A_204 = arith.addi %mul3A_2, %mul3A_203 : i32
      %dma_wait3A_205 = arith.constant 1 : i32
      %dma_wait3A_206 = arith.constant 0 : i32
      %dma_wait3A_207 = arith.constant 0 : i32
      %dma_wait3A_208 = tpu.memref_slice %arg6[%dma_wait3A_205, %dma_wait3A_206, %dma_wait3A_207] : memref<2x4x8192xf32, #tpu.memory_space<vmem>> -> memref<1x4x8192xf32, #tpu.memory_space<vmem>>
      %dma_wait3A_209 = tpu.memref_squeeze %dma_wait3A_208 : memref<1x4x8192xf32, #tpu.memory_space<vmem>> -> memref<4x8192xf32, #tpu.memory_space<vmem>>
      %dma_wait3A_210 = arith.constant 0 : i32
      %dma_wait3A_211 = tpu.memref_slice %arg4[%add3A_204, %dma_wait3A_210] : memref<8192x8192xf32, #tpu.memory_space<hbm>> -> memref<4x8192xf32, #tpu.memory_space<hbm>>
      %dma_wait3A_212 = arith.constant 0 : i32
      %dma_wait3A_213 = tpu.memref_slice %arg4[%add3A_204, %dma_wait3A_212] : memref<8192x8192xf32, #tpu.memory_space<hbm>> -> memref<4x8192xf32, #tpu.memory_space<hbm>>
      %dma_wait3A_214 = arith.constant 0 : i32
      %dma_wait3A_215 = arith.constant 0 : i32
      %dma_wait3A_216 = tpu.memref_slice %arg6[%dma_wait3A_205, %dma_wait3A_214, %dma_wait3A_215] : memref<2x4x8192xf32, #tpu.memory_space<vmem>> -> memref<1x4x8192xf32, #tpu.memory_space<vmem>>
      %dma_wait3A_217 = tpu.memref_squeeze %dma_wait3A_216 : memref<1x4x8192xf32, #tpu.memory_space<vmem>> -> memref<4x8192xf32, #tpu.memory_space<vmem>>
      tpu.wait_dma2 semaphore(%arg10 : memref<!tpu.dma_semaphore, #tpu.memory_space<semaphore_mem>>) src(%dma_wait3A_217 : memref<4x8192xf32, #tpu.memory_space<vmem>>) dst(%dma_wait3A_213 : memref<4x8192xf32, #tpu.memory_space<hbm>>)
      %add3A_218 = arith.constant 2 : i32
      %add3A_219 = arith.addi %add3A_174, %add3A_218 : i32
      %dma_start3A_220 = arith.constant 1 : i32
      %dma_start3A_221 = arith.constant 0 : i32
      %dma_start3A_222 = arith.constant 0 : i32
      %dma_start3A_223 = tpu.memref_slice %arg6[%dma_start3A_220, %dma_start3A_221, %dma_start3A_222] : memref<2x4x8192xf32, #tpu.memory_space<vmem>> -> memref<1x4x8192xf32, #tpu.memory_space<vmem>>
      %dma_start3A_224 = tpu.memref_squeeze %dma_start3A_223 : memref<1x4x8192xf32, #tpu.memory_space<vmem>> -> memref<4x8192xf32, #tpu.memory_space<vmem>>
      %dma_start3A_225 = arith.constant 0 : i32
      %dma_start3A_226 = tpu.memref_slice %arg5[%add3A_219, %dma_start3A_225] : memref<64x4xi32, #tpu.memory_space<vmem>> -> memref<1x4xi32, #tpu.memory_space<vmem>>
      %dma_start3A_227 = tpu.memref_squeeze %dma_start3A_226 : memref<1x4xi32, #tpu.memory_space<vmem>> -> memref<4xi32, #tpu.memory_space<vmem>>
      %dma_start3A_228 = arith.constant 0 : i32
      %dma_start3A_229 = arith.constant 0 : i32
      %dma_start3A_230 = tpu.memref_slice %arg3[%dma_start3A_228, %dma_start3A_229] : memref<8192x8192xf32, #tpu.memory_space<hbm>> -> memref<8192x8192xf32, #tpu.memory_space<hbm>>
      tpu.enqueue_indirect_dma source(%dma_start3A_230 : memref<8192x8192xf32, #tpu.memory_space<hbm>>) target(%dma_start3A_224 : memref<4x8192xf32, #tpu.memory_space<vmem>>) offsets(%dma_start3A_227 : memref<4xi32, #tpu.memory_space<vmem>>) semaphore(%arg8 : memref<!tpu.dma_semaphore, #tpu.memory_space<semaphore_mem>>)
    }
    %scan3A_30 = arith.constant 31 : i32
    %dma_wait3A = arith.constant 62 : i32
    %dma_wait3A_31 = arith.constant 0 : i32
    %dma_wait3A_32 = arith.constant 0 : i32
    %dma_wait3A_33 = arith.constant 0 : i32
    %dma_wait3A_34 = tpu.memref_slice %arg6[%dma_wait3A_31, %dma_wait3A_32, %dma_wait3A_33] : memref<2x4x8192xf32, #tpu.memory_space<vmem>> -> memref<1x4x8192xf32, #tpu.memory_space<vmem>>
    %dma_wait3A_35 = tpu.memref_squeeze %dma_wait3A_34 : memref<1x4x8192xf32, #tpu.memory_space<vmem>> -> memref<4x8192xf32, #tpu.memory_space<vmem>>
    %dma_wait3A_36 = arith.constant 0 : i32
    %dma_wait3A_37 = tpu.memref_slice %arg5[%dma_wait3A, %dma_wait3A_36] : memref<64x4xi32, #tpu.memory_space<vmem>> -> memref<1x4xi32, #tpu.memory_space<vmem>>
    %dma_wait3A_38 = tpu.memref_squeeze %dma_wait3A_37 : memref<1x4xi32, #tpu.memory_space<vmem>> -> memref<4xi32, #tpu.memory_space<vmem>>
    %dma_wait3A_39 = arith.constant 0 : i32
    %dma_wait3A_40 = arith.constant 0 : i32
    %dma_wait3A_41 = tpu.memref_slice %arg3[%dma_wait3A_39, %dma_wait3A_40] : memref<8192x8192xf32, #tpu.memory_space<hbm>> -> memref<8192x8192xf32, #tpu.memory_space<hbm>>
    tpu.wait_indirect_dma semaphore(%arg7 : memref<!tpu.dma_semaphore, #tpu.memory_space<semaphore_mem>>) src(%dma_wait3A_41 : memref<8192x8192xf32, #tpu.memory_space<hbm>>) dst(%dma_wait3A_35 : memref<4x8192xf32, #tpu.memory_space<vmem>>)
    %add3A_42 = arith.constant 248 : i32
    %add3A_43 = arith.addi %mul3A_2, %add3A_42 : i32
    %dma_start3A_44 = arith.constant 0 : i32
    %dma_start3A_45 = arith.constant 0 : i32
    %dma_start3A_46 = arith.constant 0 : i32
    %dma_start3A_47 = tpu.memref_slice %arg6[%dma_start3A_44, %dma_start3A_45, %dma_start3A_46] : memref<2x4x8192xf32, #tpu.memory_space<vmem>> -> memref<1x4x8192xf32, #tpu.memory_space<vmem>>
    %dma_start3A_48 = tpu.memref_squeeze %dma_start3A_47 : memref<1x4x8192xf32, #tpu.memory_space<vmem>> -> memref<4x8192xf32, #tpu.memory_space<vmem>>
    %dma_start3A_49 = arith.constant 0 : i32
    %dma_start3A_50 = tpu.memref_slice %arg4[%add3A_43, %dma_start3A_49] : memref<8192x8192xf32, #tpu.memory_space<hbm>> -> memref<4x8192xf32, #tpu.memory_space<hbm>>
    %dma_start3A_51 = arith.constant 0 : i32
    %dma_start3A_52 = tpu.memref_slice %arg4[%add3A_43, %dma_start3A_51] : memref<8192x8192xf32, #tpu.memory_space<hbm>> -> memref<4x8192xf32, #tpu.memory_space<hbm>>
    %dma_start3A_53 = arith.constant 0 : i32
    %dma_start3A_54 = arith.constant 0 : i32
    %dma_start3A_55 = tpu.memref_slice %arg6[%dma_start3A_44, %dma_start3A_53, %dma_start3A_54] : memref<2x4x8192xf32, #tpu.memory_space<vmem>> -> memref<1x4x8192xf32, #tpu.memory_space<vmem>>
    %dma_start3A_56 = tpu.memref_squeeze %dma_start3A_55 : memref<1x4x8192xf32, #tpu.memory_space<vmem>> -> memref<4x8192xf32, #tpu.memory_space<vmem>>
    tpu.enqueue_dma source(%dma_start3A_56 : memref<4x8192xf32, #tpu.memory_space<vmem>>) target(%dma_start3A_52 : memref<4x8192xf32, #tpu.memory_space<hbm>>) target_semaphore(%arg9 : memref<!tpu.dma_semaphore, #tpu.memory_space<semaphore_mem>>)
    %dma_wait3A_57 = arith.constant 63 : i32
    %dma_wait3A_58 = arith.constant 1 : i32
    %dma_wait3A_59 = arith.constant 0 : i32
    %dma_wait3A_60 = arith.constant 0 : i32
    %dma_wait3A_61 = tpu.memref_slice %arg6[%dma_wait3A_58, %dma_wait3A_59, %dma_wait3A_60] : memref<2x4x8192xf32, #tpu.memory_space<vmem>> -> memref<1x4x8192xf32, #tpu.memory_space<vmem>>
    %dma_wait3A_62 = tpu.memref_squeeze %dma_wait3A_61 : memref<1x4x8192xf32, #tpu.memory_space<vmem>> -> memref<4x8192xf32, #tpu.memory_space<vmem>>
    %dma_wait3A_63 = arith.constant 0 : i32
    %dma_wait3A_64 = tpu.memref_slice %arg5[%dma_wait3A_57, %dma_wait3A_63] : memref<64x4xi32, #tpu.memory_space<vmem>> -> memref<1x4xi32, #tpu.memory_space<vmem>>
    %dma_wait3A_65 = tpu.memref_squeeze %dma_wait3A_64 : memref<1x4xi32, #tpu.memory_space<vmem>> -> memref<4xi32, #tpu.memory_space<vmem>>
    %dma_wait3A_66 = arith.constant 0 : i32
    %dma_wait3A_67 = arith.constant 0 : i32
    %dma_wait3A_68 = tpu.memref_slice %arg3[%dma_wait3A_66, %dma_wait3A_67] : memref<8192x8192xf32, #tpu.memory_space<hbm>> -> memref<8192x8192xf32, #tpu.memory_space<hbm>>
    tpu.wait_indirect_dma semaphore(%arg8 : memref<!tpu.dma_semaphore, #tpu.memory_space<semaphore_mem>>) src(%dma_wait3A_68 : memref<8192x8192xf32, #tpu.memory_space<hbm>>) dst(%dma_wait3A_62 : memref<4x8192xf32, #tpu.memory_space<vmem>>)
    %add3A_69 = arith.constant 252 : i32
    %add3A_70 = arith.addi %mul3A_2, %add3A_69 : i32
    %dma_start3A_71 = arith.constant 1 : i32
    %dma_start3A_72 = arith.constant 0 : i32
    %dma_start3A_73 = arith.constant 0 : i32
    %dma_start3A_74 = tpu.memref_slice %arg6[%dma_start3A_71, %dma_start3A_72, %dma_start3A_73] : memref<2x4x8192xf32, #tpu.memory_space<vmem>> -> memref<1x4x8192xf32, #tpu.memory_space<vmem>>
    %dma_start3A_75 = tpu.memref_squeeze %dma_start3A_74 : memref<1x4x8192xf32, #tpu.memory_space<vmem>> -> memref<4x8192xf32, #tpu.memory_space<vmem>>
    %dma_start3A_76 = arith.constant 0 : i32
    %dma_start3A_77 = tpu.memref_slice %arg4[%add3A_70, %dma_start3A_76] : memref<8192x8192xf32, #tpu.memory_space<hbm>> -> memref<4x8192xf32, #tpu.memory_space<hbm>>
    %dma_start3A_78 = arith.constant 0 : i32
    %dma_start3A_79 = tpu.memref_slice %arg4[%add3A_70, %dma_start3A_78] : memref<8192x8192xf32, #tpu.memory_space<hbm>> -> memref<4x8192xf32, #tpu.memory_space<hbm>>
    %dma_start3A_80 = arith.constant 0 : i32
    %dma_start3A_81 = arith.constant 0 : i32
    %dma_start3A_82 = tpu.memref_slice %arg6[%dma_start3A_71, %dma_start3A_80, %dma_start3A_81] : memref<2x4x8192xf32, #tpu.memory_space<vmem>> -> memref<1x4x8192xf32, #tpu.memory_space<vmem>>
    %dma_start3A_83 = tpu.memref_squeeze %dma_start3A_82 : memref<1x4x8192xf32, #tpu.memory_space<vmem>> -> memref<4x8192xf32, #tpu.memory_space<vmem>>
    tpu.enqueue_dma source(%dma_start3A_83 : memref<4x8192xf32, #tpu.memory_space<vmem>>) target(%dma_start3A_79 : memref<4x8192xf32, #tpu.memory_space<hbm>>) target_semaphore(%arg10 : memref<!tpu.dma_semaphore, #tpu.memory_space<semaphore_mem>>)
    %add3A_84 = arith.constant 248 : i32
    %add3A_85 = arith.addi %mul3A_2, %add3A_84 : i32
    %dma_wait3A_86 = arith.constant 0 : i32
    %dma_wait3A_87 = arith.constant 0 : i32
    %dma_wait3A_88 = arith.constant 0 : i32
    %dma_wait3A_89 = tpu.memref_slice %arg6[%dma_wait3A_86, %dma_wait3A_87, %dma_wait3A_88] : memref<2x4x8192xf32, #tpu.memory_space<vmem>> -> memref<1x4x8192xf32, #tpu.memory_space<vmem>>
    %dma_wait3A_90 = tpu.memref_squeeze %dma_wait3A_89 : memref<1x4x8192xf32, #tpu.memory_space<vmem>> -> memref<4x8192xf32, #tpu.memory_space<vmem>>
    %dma_wait3A_91 = arith.constant 0 : i32
    %dma_wait3A_92 = tpu.memref_slice %arg4[%add3A_85, %dma_wait3A_91] : memref<8192x8192xf32, #tpu.memory_space<hbm>> -> memref<4x8192xf32, #tpu.memory_space<hbm>>
    %dma_wait3A_93 = arith.constant 0 : i32
    %dma_wait3A_94 = tpu.memref_slice %arg4[%add3A_85, %dma_wait3A_93] : memref<8192x8192xf32, #tpu.memory_space<hbm>> -> memref<4x8192xf32, #tpu.memory_space<hbm>>
    %dma_wait3A_95 = arith.constant 0 : i32
    %dma_wait3A_96 = arith.constant 0 : i32
    %dma_wait3A_97 = tpu.memref_slice %arg6[%dma_wait3A_86, %dma_wait3A_95, %dma_wait3A_96] : memref<2x4x8192xf32, #tpu.memory_space<vmem>> -> memref<1x4x8192xf32, #tpu.memory_space<vmem>>
    %dma_wait3A_98 = tpu.memref_squeeze %dma_wait3A_97 : memref<1x4x8192xf32, #tpu.memory_space<vmem>> -> memref<4x8192xf32, #tpu.memory_space<vmem>>
    tpu.wait_dma2 semaphore(%arg9 : memref<!tpu.dma_semaphore, #tpu.memory_space<semaphore_mem>>) src(%dma_wait3A_98 : memref<4x8192xf32, #tpu.memory_space<vmem>>) dst(%dma_wait3A_94 : memref<4x8192xf32, #tpu.memory_space<hbm>>)
    %add3A_99 = arith.constant 252 : i32
    %add3A_100 = arith.addi %mul3A_2, %add3A_99 : i32
    %dma_wait3A_101 = arith.constant 1 : i32
    %dma_wait3A_102 = arith.constant 0 : i32
    %dma_wait3A_103 = arith.constant 0 : i32
    %dma_wait3A_104 = tpu.memref_slice %arg6[%dma_wait3A_101, %dma_wait3A_102, %dma_wait3A_103] : memref<2x4x8192xf32, #tpu.memory_space<vmem>> -> memref<1x4x8192xf32, #tpu.memory_space<vmem>>
    %dma_wait3A_105 = tpu.memref_squeeze %dma_wait3A_104 : memref<1x4x8192xf32, #tpu.memory_space<vmem>> -> memref<4x8192xf32, #tpu.memory_space<vmem>>
    %dma_wait3A_106 = arith.constant 0 : i32
    %dma_wait3A_107 = tpu.memref_slice %arg4[%add3A_100, %dma_wait3A_106] : memref<8192x8192xf32, #tpu.memory_space<hbm>> -> memref<4x8192xf32, #tpu.memory_space<hbm>>
    %dma_wait3A_108 = arith.constant 0 : i32
    %dma_wait3A_109 = tpu.memref_slice %arg4[%add3A_100, %dma_wait3A_108] : memref<8192x8192xf32, #tpu.memory_space<hbm>> -> memref<4x8192xf32, #tpu.memory_space<hbm>>
    %dma_wait3A_110 = arith.constant 0 : i32
    %dma_wait3A_111 = arith.constant 0 : i32
    %dma_wait3A_112 = tpu.memref_slice %arg6[%dma_wait3A_101, %dma_wait3A_110, %dma_wait3A_111] : memref<2x4x8192xf32, #tpu.memory_space<vmem>> -> memref<1x4x8192xf32, #tpu.memory_space<vmem>>
    %dma_wait3A_113 = tpu.memref_squeeze %dma_wait3A_112 : memref<1x4x8192xf32, #tpu.memory_space<vmem>> -> memref<4x8192xf32, #tpu.memory_space<vmem>>
    tpu.wait_dma2 semaphore(%arg10 : memref<!tpu.dma_semaphore, #tpu.memory_space<semaphore_mem>>) src(%dma_wait3A_113 : memref<4x8192xf32, #tpu.memory_space<vmem>>) dst(%dma_wait3A_109 : memref<4x8192xf32, #tpu.memory_space<hbm>>)
    return
  }
}

</mosaic_0001>

<sc_bundles>
// kernel: kernel.3.cloned.1.call-start
scs
__scs_entry_jumppad:
0x0: {  	(pc) =	sbr.rel $0x88, $3  }
0x1: {  	(tag) =	ssettag $0x0;
	lr =	simm.s32 $0x1  }
0x2: {  	[smem:$0x3F9F] =	sst lr;
	_ =	strace $0xD0000000  }
0x3: {  	_ = 	snop  }
0x4: {  	_ = 	snop  }
0x5: {  	_ = 	snop  }
0x6: {  	_ = 	snop  }
0x7: {  	_ = 	snop  }
__scs_overlays_trampoline_lowered:
0x8: {  	[smem:$0x3FAE] =	sst s0  }
0x9: {  	[smem:$0x3FAF] =	sst s1  }
0xa: {  	[smem:$0x3FB0] =	sst s2  }
0xb: {  	[smem:$0x3FB1] =	sst s3  }
0xc: {  	[smem:$0x3FB2] =	sst s4  }
0xd: {  	[smem:$0x3FB3] =	sst s5  }
0xe: {  	[smem:$0x3FB4] =	sst s6  }
0xf: {  	[smem:$0x3FB5] =	sst s7  }
0x10: {  	[smem:$0x3FB6] =	sst s8  }
0x11: {  	[smem:$0x3FB7] =	sst s9;
	s0 =	simm.s32 @!p0 $0x0  }
0x12: {  	s1 =	sld [smem:$0x3F9D];
	s0 =	simm.s32 @p0 $0x1  }
0x13: {  	[smem:$0x3FB8] =	sst s0;
	s0 =	simm.s32 @!p1 $0x0  }
0x14: {  	s2 =	sld [smem:$0x3F9C];
	s0 =	simm.s32 @p1 $0x1  }
0x15: {  	[smem:$0x3FB9] =	sst s0;
	s0 =	simm.s32 @!p2 $0x0  }
0x16: {  	s3 =	sld [smem:$0x3FDB];
	s0 =	simm.s32 @p2 $0x1  }
0x17: {  	s4 =	simm.s32 $0x1BF5;
	[smem:$0x3FBB] =	sst s0  }
0x18: {  	s0 =	sld [smem:$0x3F9E];
	_ =	swait.ge [sflag:s4], $0x0  }
0x19: {  	s7 =	sld [smem:$0x3F9F]  }
0x1a: {  	s8 =	sadd.s32 $0xFFFFE003, lr  }
0x1b: {  	s9 =	sadd.s32 $0xFFFFFEF7, lr;
	s5 =	simm.s32 $0xFFFFFFFF;
	p2 =	slt.u32 s8, $0xFFFFF086  }
0x1c: {  	p1 =	slt.u32 s9, $0xF7A;
	s5 =	simm.s32 @!p2 $0x0  }
0x1d: {  	s5 =	simm.s32 @p1 $0x1;
	p0 =	seq.s32 s7, s2  }
0x1e: {  	s7 =	smul.u32 @!p0 $0xF7A, s2;
	p2 =	seq.s32 @!p0 s5, $0x0  }
0x1f: {  	s9 =	smul.u32 $0xF7A, s1;
	s8 =	simm.s32 @!p0 $0x1BF5;
	p2 =	por !p2, p0  }
0x20: {  	[sflag:s8] =	ssyncset.s32 @!p0 $0xFFFFF086;
	s6 =	sadd.s32 @!p0 s3, s7;
	s7 =	simm.s32 @!p0 $0x108  }
0x21: {  	s3 =	sadd.s32 s3, s9;
	s6 =	sadd.s32 @!p0 $0x88, s6;
	s7 =	simm.s32 @p2 $0x1082  }
0x22: {  	[simem:s7], [sflag:s8] =	dma.local @!p0 [hbm:s6], $0xF7A  }
0x23: {  	s9 =	sor.u32 $0xD0000000, s2;
	s6 =	simm.s32 $0x108;
	_ =	swait.ge @!p0 [sflag:s8], $0x0  }
0x24: {  	s3 =	sadd.s32 $0x88, s3;
	s6 =	simm.s32 @!p1 $0x1082;
	[sflag:s4] =	ssyncset.s32 $0xFFFFF086  }
0x25: {  	[simem:s6], [sflag:s4] =	dma.local [hbm:s3], $0xF7A  }
0x26: {  	[smem:$0x3F9F] =	sst s1;
	(tag) =	ssettag s2;
	_ =	strace s9  }
0x27: {  	s1 =	sld [smem:$0x3FAF]  }
0x28: {  	s2 =	sld [smem:$0x3FB0]  }
0x29: {  	s4 =	sld [smem:$0x3FB2]  }
0x2a: {  	p0 =	seq.s32 s5, $0x0;
	s5 =	sld [smem:$0x3FB3]  }
0x2b: {  	s6 =	sld [smem:$0x3FB4]  }
0x2c: {  	s7 =	sld [smem:$0x3FB5]  }
0x2d: {  	s3 =	simm.s32 $0x108;
	s8 =	sld [smem:$0x3FB6]  }
0x2e: {  	s3 =	simm.s32 @!p0 $0x1082;
	s9 =	sld [smem:$0x3FB7]  }
0x2f: {  	lr =	sadd.s32 s0, s3;
	s0 =	sld [smem:$0x3FAE]  }
0x30: {  	s3 =	sld [smem:$0x3FB1]  }
0x31: {  	[smem:$0x3FBA] =	sst s10  }
0x32: {  	s10 =	sld [smem:$0x3FB8];
	_ =	sdelay $0x3  }
0x33: {  	p0 =	seq.s32 s10, $0x1;
	s10 =	sld [smem:$0x3FBA];
	_ =	sdelay $0x3  }
0x34: {  	[smem:$0x3FBA] =	sst s10  }
0x35: {  	s10 =	sld [smem:$0x3FB9];
	_ =	sdelay $0x3  }
0x36: {  	p1 =	seq.s32 s10, $0x1;
	s10 =	sld [smem:$0x3FBA];
	_ =	sdelay $0x3  }
0x37: {  	[smem:$0x3FBA] =	sst s10  }
0x38: {  	s10 =	sld [smem:$0x3FBB]  }
0x39: {  	_ = 	snop;
	(pc) =	sbr.ind lr, $3  }
0x3a: {  	_ = 	snop  }
0x3b: {  	_ = 	snop  }
0x3c: {  	p2 =	seq.s32 s10, $0x1;
	s10 =	sld [smem:$0x3FBA]  }
0x3d: {  	_ =	shalt  }
0x3e: {  	_ =	shalt  }
0x3f: {  	_ =	shalt  }
0x40: {  	_ =	shalt  }
0x41: {  	_ =	shalt  }
0x42: {  	_ =	shalt  }
0x43: {  	_ =	shalt  }
0x44: {  	_ =	shalt  }
0x45: {  	_ =	shalt  }
0x46: {  	_ =	shalt  }
0x47: {  	_ =	shalt  }
0x48: {  	_ =	shalt  }
0x49: {  	_ =	shalt  }
0x4a: {  	_ =	shalt  }
0x4b: {  	_ =	shalt  }
0x4c: {  	_ =	shalt  }
0x4d: {  	_ =	shalt  }
0x4e: {  	_ =	shalt  }
0x4f: {  	_ =	shalt  }
0x50: {  	_ =	shalt  }
0x51: {  	_ =	shalt  }
0x52: {  	_ =	shalt  }
0x53: {  	_ =	shalt  }
0x54: {  	_ =	shalt  }
0x55: {  	_ =	shalt  }
0x56: {  	_ =	shalt  }
0x57: {  	_ =	shalt  }
0x58: {  	_ =	shalt  }
0x59: {  	_ =	shalt  }
0x5a: {  	_ =	shalt  }
0x5b: {  	_ =	shalt  }
0x5c: {  	_ =	shalt  }
0x5d: {  	_ =	shalt  }
0x5e: {  	_ =	shalt  }
0x5f: {  	_ =	shalt  }
0x60: {  	_ =	shalt  }
0x61: {  	_ =	shalt  }
0x62: {  	_ =	shalt  }
0x63: {  	_ =	shalt  }
0x64: {  	_ =	shalt  }
0x65: {  	_ =	shalt  }
0x66: {  	_ =	shalt  }
0x67: {  	_ =	shalt  }
0x68: {  	_ =	shalt  }
0x69: {  	_ =	shalt  }
0x6a: {  	_ =	shalt  }
0x6b: {  	_ =	shalt  }
0x6c: {  	_ =	shalt  }
0x6d: {  	_ =	shalt  }
0x6e: {  	_ =	shalt  }
0x6f: {  	_ =	shalt  }
0x70: {  	_ =	shalt  }
0x71: {  	_ =	shalt  }
0x72: {  	_ =	shalt  }
0x73: {  	_ =	shalt  }
0x74: {  	_ =	shalt  }
0x75: {  	_ =	shalt  }
0x76: {  	_ =	shalt  }
0x77: {  	_ =	shalt  }
0x78: {  	_ =	shalt  }
0x79: {  	_ =	shalt  }
0x7a: {  	_ =	shalt  }
0x7b: {  	_ =	shalt  }
0x7c: {  	_ =	shalt  }
0x7d: {  	_ =	shalt  }
0x7e: {  	_ =	shalt  }
0x7f: {  	_ =	shalt  }
0x80: {  	_ =	shalt  }
0x81: {  	_ =	shalt  }
0x82: {  	_ =	shalt  }
0x83: {  	_ =	shalt  }
0x84: {  	_ =	shalt  }
0x85: {  	_ =	shalt  }
0x86: {  	_ =	shalt  }
0x87: {  	_ =	shalt  }
.Lfunc_end0:
.L_simem_size_0:
called_computation_lowered:
.L_overlay_start_0:
0x88: {  	s2 =	sld [smem:$0x3FD9]  }
0x89: {  	s3 =	sld [smem:$0x3FFE];
	_ =	sdelay $0x1  }
0x8a: {  	s1 =	srdreg.scid  }
0x8b: {  	s0 =	sand.u32 $0x1, s1  }
0x8c: {  	s17 =	sshll.u32 s0, $0xA;
	s2 =	sadd.s32 s3, s2  }
0x8d: {  	s2 =	sadd.s32 s2, s17  }
0x8e: {  	[smem:$0x3FC6] =	sst s2  }
0x8f: {  	_ = 	snop  }
0x90: {  	s2 =	sld [smem:$0x3FC8]  }
0x91: {  	s18 =	sld [smem:$0x3FD0];
	(tm) =	ssettm $0x1  }
0x92: {  	s4 =	sld [smem:$0x3FFB];
	_ =	sdelay $0x3  }
0x93: {  	_ =	strace s4  }
0x94: {  	s4 =	sld [smem:$0x3FFC];
	_ =	sdelay $0x3  }
0x95: {  	_ =	strace s4  }
0x96: {  	s4 =	sld [smem:$0x3FFD];
	_ =	sdelay $0x3  }
0x97: {  	_ =	strace s4  }
0x98: {  	_ =	strace $0x8FFFFFFF  }
0x99: {  	s19 =	sld [smem:$0x3FDB];
	_ =	sdelay $0x1  }
0x9a: {  	s5 =	simm.s32 $_scs_section_size  }
0x9b: {  	s6 =	simm.s32 $_size__tile_overlayer_lowered;
	s7 =	simm.s32 $_tile_overlayer_lowered  }
0x9c: {  	s22 =	simm.s32 $0x1BFF;
	s21 =	sshll.u32 s7, $0x1;
	s4 =	sadd.s32 s5, s19  }
0x9d: {  	s8 =	simm.s32 $0x0;
	s20 =	sshll.u32 s6, $0x1;
	s6 =	sadd.s32 s21, s4  }
0x9e: {  	[timem:s8], [sflag:s22] =	dma.local [hbm:s6], s20  }
0x9f: {  	_ =	swait.ge [sflag:s22], s20  }
0xa0: {  	s5 =	ssub.s32 $0x0, s20;
	[sflag:s22] =	ssyncset.done $0x0  }
0xa1: {  	[sflag:s22] =	ssyncadd.s32 s5;
	_ =	sdelay $0x1  }
0xa2: {  	s23 =	simm.s32 $0x1B8B  }
0xa3: {  	_ =	swait.ge [sflag:s23], $0x1  }
0xa4: {  	[sflag:s23] =	ssyncset.done $0x0  }
0xa5: {  	s25 =	simm.s32 $0x1B8E;
	s24 =	sld [smem:$0x3FFE];
	[sflag:s23] =	ssyncadd.s32 $0xFFFFFFFF  }
0xa6: {  	s26 =	simm.s32 $execute0_lowered;
	[smem:$0x3FD2] =	sst s25  }
0xa7: {  	s6 =	sshll.u32 s26, $0x1;
	_ =	strace $0x80000046;
	[dreg:$0x1] =	wrdreg $0xFFFFFFFF  }
0xa8: {  	s28 =	simm.s32 $_size_execute0_lowered;
	s4 =	sadd.s32 s4, s6;
	[dreg:$0x0] =	wrdreg $0x0  }
0xa9: {  	s6 =	sshll.u32 s28, $0x1;
	[dreg:$0x2] =	wrdreg s4  }
0xaa: {  	[dreg:$0x3] =	wrdreg s6  }
0xab: {  	[dreg:$0x4] =	wrdreg $0xC0  }
0xac: {  	_ =	task [dreg:s8], $0x5FFFF  }
0xad: {  	[dreg:$0x1] =	wrdreg $0xFFFFFFFF  }
0xae: {  	[dreg:$0x0] =	wrdreg $0x60  }
0xaf: {  	[dreg:$0x2] =	wrdreg s24  }
0xb0: {  	[dreg:$0x3] =	wrdreg s2  }
0xb1: {  	[dreg:$0x4] =	wrdreg s18  }
0xb2: {  	[dreg:$0x5] =	wrdreg $0x9  }
0xb3: {  	_ =	task.clear_ibuf [dreg:s8], $0x6FFFF;
	_ =	strace $0x90000046  }
0xb4: {  	s29 =	simm.s32 $0x9;
	_ =	strace $0x80000048  }
0xb5: {  	_ =	swait.ge [sflag:s29], $0x1  }
0xb6: {  	[sflag:s29] =	ssyncadd.s32 $0xFFFFFFFF  }
0xb7: {  	_ =	strace $0x90000048  }
0xb8: {  	_ =	sfence  }
0xb9: {  	s30 =	sld [smem:$0x0];
	_ =	sdelay $0x2  }
0xba: {  	s31 =	sshll.u32 s1, $0xD;
	s1 =	sshrl.u32 s1, $0x2  }
0xbb: {  	s3 =	sand.u32 $0x4000, s31;
	s1 =	sadd.s32 s1, s30  }
0xbc: {  	s0 =	sor.u32 s3, s0;
	s1 =	sshll.u32 s1, $0x11  }
0xbd: {  	s0 =	sor.u32 s1, s0  }
0xbe: {  	s0 =	sadd.s32 $0x8F2B, s0  }
0xbf: {  	[sflag:s0] =	ssyncadd.remote.s32 $0x1  }
0xc0: {  	_ =	sfence.sel $0xFFFF  }
0xc1: {  	[dreg:$0x0] =	wrdreg $0xFFFFFFFF;
	(pc) =	sbr.abs _section_cstart, $3  }
0xc2: {  	[dreg:$0x1] =	wrdreg $0xFFFFFFFF  }
0xc3: {  	_ =	task.clear_ibuf [dreg:s8], $0x2FFFF;
	_ =	strace $0x9FFFFFFF  }
0xc4: {  	(tm) =	ssettm $0x7FFFFFFF  }
0xc5: {  	_ =	shalt  }
tec
execute0_lowered:
.L_overlay_start_1:
0x0: {  	(tag) =	ssettag $0x1  }
0x1: {  	s0 =	rddreg [dreg:$0x0]  }
0x2: {  	s2 =	rddreg [dreg:$0x1]  }
0x3: {  	s1 =	srdreg.scid;
	s21 =	stileid.u32  }
0x4: {  	s4 =	rddreg [dreg:$0x2];
	s3 =	simm.s32 $0x0;
	s29 =	simm.s32 $0x2000  }
0x5: {  	s30 =	simm.s32 $0x2800;
	s31 =	simm.s32 $0x4800;
	s28 =	simm.s32 $0xA000  }
0x6: {  	s1 =	sand.u32 $0x1, s1;
	s5 =	sshll.u32 s21, $0x1;
	[smem:$0x7FF] =	sst s3  }
0x7: {  	s8 =	sadd.s32 $0x800, s2;
	s9 =	sadd.s32 $0xA00, s2;
	s10 =	sadd.s32 $0xC00, s2  }
0x8: {  	s11 =	sadd.s32 $0xE00, s2;
	s12 =	sadd.s32 $0x1000, s2;
	s13 =	sadd.s32 $0x1200, s2  }
0x9: {  	s14 =	sadd.s32 $0x1400, s2;
	s15 =	sadd.s32 $0x1600, s2;
	s16 =	sadd.s32 $0x1800, s2  }
0xa: {  	s17 =	sadd.s32 $0x1A00, s2;
	s18 =	sadd.s32 $0x1C00, s2;
	s21 =	sshll.u32 s21, $0x13  }
0xb: {  	s5 =	sor.u32 s1, s5;
	s7 =	ssub.s32 $0x2, s1;
	_ =	strace $0x80000047  }
0xc: {  	s25 =	sadd.s32 s21, s4;
	s1 =	sshll.u32 s1, $0x12;
	s21 =	simm.s32 $0x3  }
0xd: {  	s6 =	sshll.u32 s5, $0xA;
	s23 =	sshrl.u32 s7, $0x1;
	s19 =	sshll.u32 s5, $0x12  }
0xe: {  	s5 =	sadd.s32 $0x200, s2;
	s0 =	sadd.s32 s6, s0;
	s20 =	ssub.s32 s7, s23  }
0xf: {  	s6 =	sadd.s32 $0x400, s2;
	s7 =	sadd.s32 $0x600, s2;
	s24 =	sadd.s32 s19, s4  }
0x10: {  	s19 =	sadd.s32 $0x1E00, s2;
	s2 =	simm.s32 $0x4000;
	s0 =	sadd.s32 $0x400, s0  }
0x11: {  	s4 =	simm.s32 $0x200;
	s22 =	sadd.s32 $0x3E000, s24;
	[dreg:$0x4] =	wrdreg s0  }
0x12: {  	s23 =	simm.s32 $0x4;
	s26 =	smax.u32 s20, $0x1;
	[dreg:$0x5] =	wrdreg s22  }
0x13: {  	s20 =	simm.s32 $0x400;
	s0 =	sadd.s32 $0x3E040, s24;
	[dreg:$0x7] =	wrdreg s26  }
0x14: {  	v0 =	vlaneseq.u32;
	s22 =	simm.s32 $0x2;
	s24 =	simm.s32 $0x0;
	[dreg:$0x6] =	wrdreg s0  }
0x15: {  	v1 =	vshrl.u32 v0, $0x2;
	s0 =	sadd.s32 s1, s25;
	s1 =	simm.s32 $0x3800;
	[dreg:$0x9] =	wrdreg s24  }
0x16: {  	vm0 =	vmmov $0xffff;
	v0 =	vand.u32 $0x3, v0;
	v1 =	vmul.u32 $0x8, v1;
	s25 =	simm.s32 $0x5000;
	[dreg:$0x8] =	wrdreg s0;
	s0 =	simm.s32 $0x1  }
.LBB2_1:
0x17: {  	s24 =	rddreg [dreg:$0x4];
	s26 =	simm.s32 $0x5  }
0x18: {  	[tilespmem:s3], [sflag:$0x5] =	stream.linear.gather [hbm4b:s24+s3], $0x2000, $0x38;
	[tilespmem:$0x12000] =	vst v63  }
0x19: {  	_ =	swait.ge [sflag:s26], $0x2000  }
0x1a: {  	[sflag:s26] =	ssyncset.done $0x0  }
0x1b: {  	[sflag:s26] =	ssyncadd.s32 $0xFFFFE000  }
0x1c: {  	v2 =	vld.msk [tilespmem:$0x0], $0xf;
	_ =	sdelay $0x4  }
0x1d: {  	v3 =	vshll.u32 v2, $0x6  }
0x1e: {  	v2 =	vand.u32 $0x7, v2;
	v3 =	vand.u32 $0xFFFFFE00, v3  }
0x1f: {  	v2 =	vor.u32 v2, v3  }
0x20: {  	v2 =	vperm.xlane v2, v0;
	_ =	sdelay $0x1  }
0x21: {  	v2 =	vadd.s32 v1, v2;
	_ =	sdelay $0x3  }
0x22: {  	s26 =	rddreg [dreg:$0x1]  }
0x23: {  	[tilespmem:s29], [sflag:$0x1] =	stream.indirect_vreg.gather [hbm4b:s26+s3], $0x80, v2, vm0, $0xb8;
	[tilespmem:$0x12000] =	vst v63  }
0x24: {  	_ = 	snop  }
0x25: {  	[tilespmem:s30], [sflag:$0x1] =	stream.indirect_vreg.gather [hbm4b:s5+s3], $0x80, v2, vm0, $0xb8;
	[tilespmem:$0x12000] =	vst v63  }
0x26: {  	s24 =	simm.s32 $0x3000  }
0x27: {  	[tilespmem:s24], [sflag:$0x1] =	stream.indirect_vreg.gather [hbm4b:s6+s3], $0x80, v2, vm0, $0xb8;
	[tilespmem:$0x12000] =	vst v63  }
0x28: {  	_ = 	snop  }
0x29: {  	[tilespmem:s1], [sflag:$0x1] =	stream.indirect_vreg.gather [hbm4b:s7+s3], $0x80, v2, vm0, $0xb8;
	[tilespmem:$0x12000] =	vst v63  }
0x2a: {  	_ = 	snop  }
0x2b: {  	[tilespmem:s2], [sflag:$0x1] =	stream.indirect_vreg.gather [hbm4b:s8+s3], $0x80, v2, vm0, $0xb8;
	[tilespmem:$0x12000] =	vst v63  }
0x2c: {  	_ = 	snop  }
0x2d: {  	[tilespmem:s31], [sflag:$0x1] =	stream.indirect_vreg.gather [hbm4b:s9+s3], $0x80, v2, vm0, $0xb8;
	[tilespmem:$0x12000] =	vst v63  }
0x2e: {  	_ = 	snop  }
0x2f: {  	[tilespmem:s25], [sflag:$0x1] =	stream.indirect_vreg.gather [hbm4b:s10+s3], $0x80, v2, vm0, $0xb8;
	[tilespmem:$0x12000] =	vst v63  }
0x30: {  	s31 =	simm.s32 $0x5800  }
0x31: {  	[tilespmem:s31], [sflag:$0x1] =	stream.indirect_vreg.gather [hbm4b:s11+s3], $0x80, v2, vm0, $0xb8;
	[tilespmem:$0x12000] =	vst v63  }
0x32: {  	s2 =	simm.s32 $0x6000  }
0x33: {  	[tilespmem:s2], [sflag:$0x1] =	stream.indirect_vreg.gather [hbm4b:s12+s3], $0x80, v2, vm0, $0xb8;
	[tilespmem:$0x12000] =	vst v63  }
0x34: {  	s24 =	simm.s32 $0x6800  }
0x35: {  	[tilespmem:s24], [sflag:$0x1] =	stream.indirect_vreg.gather [hbm4b:s13+s3], $0x80, v2, vm0, $0xb8;
	[tilespmem:$0x12000] =	vst v63  }
0x36: {  	s25 =	simm.s32 $0x7000  }
0x37: {  	[tilespmem:s25], [sflag:$0x1] =	stream.indirect_vreg.gather [hbm4b:s14+s3], $0x80, v2, vm0, $0xb8;
	[tilespmem:$0x12000] =	vst v63  }
0x38: {  	s29 =	simm.s32 $0x7800  }
0x39: {  	[tilespmem:s29], [sflag:$0x1] =	stream.indirect_vreg.gather [hbm4b:s15+s3], $0x80, v2, vm0, $0xb8;
	[tilespmem:$0x12000] =	vst v63  }
0x3a: {  	s31 =	simm.s32 $0x8000  }
0x3b: {  	[tilespmem:s31], [sflag:$0x1] =	stream.indirect_vreg.gather [hbm4b:s16+s3], $0x80, v2, vm0, $0xb8;
	[tilespmem:$0x12000] =	vst v63  }
0x3c: {  	s2 =	simm.s32 $0x8800  }
0x3d: {  	[tilespmem:s2], [sflag:$0x1] =	stream.indirect_vreg.gather [hbm4b:s17+s3], $0x80, v2, vm0, $0xb8;
	[tilespmem:$0x12000] =	vst v63  }
0x3e: {  	s24 =	simm.s32 $0x9000  }
0x3f: {  	[tilespmem:s24], [sflag:$0x1] =	stream.indirect_vreg.gather [hbm4b:s18+s3], $0x80, v2, vm0, $0xb8;
	[tilespmem:$0x12000] =	vst v63  }
0x40: {  	s25 =	simm.s32 $0x9800  }
0x41: {  	[tilespmem:s25], [sflag:$0x1] =	stream.indirect_vreg.gather [hbm4b:s19+s3], $0x80, v2, vm0, $0xb8;
	[tilespmem:$0x12000] =	vst v63  }
0x42: {  	v2 =	vld.msk [tilespmem:$0x80], $0xf;
	_ =	sdelay $0x4  }
0x43: {  	v3 =	vshll.u32 v2, $0x6  }
0x44: {  	v2 =	vand.u32 $0x7, v2;
	v3 =	vand.u32 $0xFFFFFE00, v3  }
0x45: {  	v2 =	vor.u32 v2, v3  }
0x46: {  	v2 =	vperm.xlane v2, v0;
	_ =	sdelay $0x1  }
0x47: {  	v2 =	vadd.s32 v1, v2;
	_ =	sdelay $0x4  }
0x48: {  	[tilespmem:s28], [sflag:$0x2] =	stream.indirect_vreg.gather [hbm4b:s26+s3], $0x80, v2, vm0, $0xb8;
	[tilespmem:$0x12000] =	vst v63  }
0x49: {  	s28 =	simm.s32 $0xA800  }
0x4a: {  	[tilespmem:s28], [sflag:$0x2] =	stream.indirect_vreg.gather [hbm4b:s5+s3], $0x80, v2, vm0, $0xb8;
	[tilespmem:$0x12000] =	vst v63  }
0x4b: {  	s29 =	simm.s32 $0xB000  }
0x4c: {  	[tilespmem:s29], [sflag:$0x2] =	stream.indirect_vreg.gather [hbm4b:s6+s3], $0x80, v2, vm0, $0xb8;
	[tilespmem:$0x12000] =	vst v63  }
0x4d: {  	s31 =	simm.s32 $0xB800  }
0x4e: {  	[tilespmem:s31], [sflag:$0x2] =	stream.indirect_vreg.gather [hbm4b:s7+s3], $0x80, v2, vm0, $0xb8;
	[tilespmem:$0x12000] =	vst v63  }
0x4f: {  	s2 =	simm.s32 $0xC000  }
0x50: {  	[tilespmem:s2], [sflag:$0x2] =	stream.indirect_vreg.gather [hbm4b:s8+s3], $0x80, v2, vm0, $0xb8;
	[tilespmem:$0x12000] =	vst v63  }
0x51: {  	s24 =	simm.s32 $0xC800  }
0x52: {  	[tilespmem:s24], [sflag:$0x2] =	stream.indirect_vreg.gather [hbm4b:s9+s3], $0x80, v2, vm0, $0xb8;
	[tilespmem:$0x12000] =	vst v63  }
0x53: {  	s25 =	simm.s32 $0xD000  }
0x54: {  	[tilespmem:s25], [sflag:$0x2] =	stream.indirect_vreg.gather [hbm4b:s10+s3], $0x80, v2, vm0, $0xb8;
	[tilespmem:$0x12000] =	vst v63  }
0x55: {  	s28 =	simm.s32 $0xD800  }
0x56: {  	[tilespmem:s28], [sflag:$0x2] =	stream.indirect_vreg.gather [hbm4b:s11+s3], $0x80, v2, vm0, $0xb8;
	[tilespmem:$0x12000] =	vst v63  }
0x57: {  	s29 =	simm.s32 $0xE000  }
0x58: {  	[tilespmem:s29], [sflag:$0x2] =	stream.indirect_vreg.gather [hbm4b:s12+s3], $0x80, v2, vm0, $0xb8;
	[tilespmem:$0x12000] =	vst v63  }
0x59: {  	s31 =	simm.s32 $0xE800  }
0x5a: {  	[tilespmem:s31], [sflag:$0x2] =	stream.indirect_vreg.gather [hbm4b:s13+s3], $0x80, v2, vm0, $0xb8;
	[tilespmem:$0x12000] =	vst v63  }
0x5b: {  	s2 =	simm.s32 $0xF000  }
0x5c: {  	[tilespmem:s2], [sflag:$0x2] =	stream.indirect_vreg.gather [hbm4b:s14+s3], $0x80, v2, vm0, $0xb8;
	[tilespmem:$0x12000] =	vst v63  }
0x5d: {  	s24 =	simm.s32 $0xF800  }
0x5e: {  	[tilespmem:s24], [sflag:$0x2] =	stream.indirect_vreg.gather [hbm4b:s15+s3], $0x80, v2, vm0, $0xb8;
	[tilespmem:$0x12000] =	vst v63  }
0x5f: {  	s25 =	simm.s32 $0x10000  }
0x60: {  	[tilespmem:s25], [sflag:$0x2] =	stream.indirect_vreg.gather [hbm4b:s16+s3], $0x80, v2, vm0, $0xb8;
	[tilespmem:$0x12000] =	vst v63  }
0x61: {  	s28 =	simm.s32 $0x10800  }
0x62: {  	[tilespmem:s28], [sflag:$0x2] =	stream.indirect_vreg.gather [hbm4b:s17+s3], $0x80, v2, vm0, $0xb8;
	[tilespmem:$0x12000] =	vst v63  }
0x63: {  	s29 =	simm.s32 $0x11000;
	s31 =	simm.s32 $0x11800;
	s2 =	simm.s32 $0x4000  }
0x64: {  	[tilespmem:s29], [sflag:$0x2] =	stream.indirect_vreg.gather [hbm4b:s18+s3], $0x80, v2, vm0, $0xb8;
	[tilespmem:$0x12000] =	vst v63  }
0x65: {  	s24 =	rddreg [dreg:$0x8];
	s25 =	smov.u32 s26;
	s26 =	simm.s32 $0x0  }
0x66: {  	[tilespmem:s31], [sflag:$0x2] =	stream.indirect_vreg.gather [hbm4b:s19+s3], $0x80, v2, vm0, $0xb8;
	[tilespmem:$0x12000] =	vst v63  }
.LBB2_2:
0x67: {  	_ =	swait.ge [sflag:s0], $0x8000  }
0x68: {  	[sflag:s0] =	ssyncset.done $0x0  }
0x69: {  	s31 =	simm.s32 $0x2000;
	[sflag:s0] =	ssyncadd.s32 $0xFFFF8000  }
0x6a: {  	[hbm4b:s24+s4] =	stream.strided.scatter [tilespmem:s31], [sflag:$0x3], $0x8000, s20, s4, $0x38;
	[tilespmem:$0x12000] =	vst v63  }
0x6b: {  	_ =	swait.ge [sflag:s21], $0x8000  }
0x6c: {  	[sflag:s21] =	ssyncset.done $0x0  }
0x6d: {  	s28 =	sshra.s32 s26, $0x2;
	[sflag:s21] =	ssyncadd.s32 $0xFFFF8000  }
0x6e: {  	v2 =	vld.msk [tilespmem:s28+$0x100], $0xf;
	_ =	sdelay $0x4  }
0x6f: {  	v3 =	vshll.u32 v2, $0x6  }
0x70: {  	v2 =	vand.u32 $0x7, v2;
	v3 =	vand.u32 $0xFFFFFE00, v3  }
0x71: {  	v2 =	vor.u32 v2, v3  }
0x72: {  	v2 =	vperm.xlane v2, v0;
	_ =	sdelay $0x1  }
0x73: {  	v2 =	vadd.s32 v1, v2;
	_ =	sdelay $0x4  }
0x74: {  	[tilespmem:s31], [sflag:$0x1] =	stream.indirect_vreg.gather [hbm4b:s25+s3], $0x80, v2, vm0, $0xb8;
	[tilespmem:$0x12000] =	vst v63  }
0x75: {  	_ = 	snop  }
0x76: {  	[tilespmem:s30], [sflag:$0x1] =	stream.indirect_vreg.gather [hbm4b:s5+s3], $0x80, v2, vm0, $0xb8;
	[tilespmem:$0x12000] =	vst v63  }
0x77: {  	s1 =	simm.s32 $0x3000  }
0x78: {  	[tilespmem:s1], [sflag:$0x1] =	stream.indirect_vreg.gather [hbm4b:s6+s3], $0x80, v2, vm0, $0xb8;
	[tilespmem:$0x12000] =	vst v63  }
0x79: {  	s1 =	simm.s32 $0x3800  }
0x7a: {  	[tilespmem:s1], [sflag:$0x1] =	stream.indirect_vreg.gather [hbm4b:s7+s3], $0x80, v2, vm0, $0xb8;
	[tilespmem:$0x12000] =	vst v63  }
0x7b: {  	_ = 	snop  }
0x7c: {  	[tilespmem:s2], [sflag:$0x1] =	stream.indirect_vreg.gather [hbm4b:s8+s3], $0x80, v2, vm0, $0xb8;
	[tilespmem:$0x12000] =	vst v63  }
0x7d: {  	s31 =	simm.s32 $0x4800  }
0x7e: {  	[tilespmem:s31], [sflag:$0x1] =	stream.indirect_vreg.gather [hbm4b:s9+s3], $0x80, v2, vm0, $0xb8;
	[tilespmem:$0x12000] =	vst v63  }
0x7f: {  	s1 =	simm.s32 $0x5000  }
0x80: {  	[tilespmem:s1], [sflag:$0x1] =	stream.indirect_vreg.gather [hbm4b:s10+s3], $0x80, v2, vm0, $0xb8;
	[tilespmem:$0x12000] =	vst v63  }
0x81: {  	s1 =	simm.s32 $0x5800  }
0x82: {  	[tilespmem:s1], [sflag:$0x1] =	stream.indirect_vreg.gather [hbm4b:s11+s3], $0x80, v2, vm0, $0xb8;
	[tilespmem:$0x12000] =	vst v63  }
0x83: {  	s1 =	simm.s32 $0x6000  }
0x84: {  	[tilespmem:s1], [sflag:$0x1] =	stream.indirect_vreg.gather [hbm4b:s12+s3], $0x80, v2, vm0, $0xb8;
	[tilespmem:$0x12000] =	vst v63  }
0x85: {  	s1 =	simm.s32 $0x6800  }
0x86: {  	[tilespmem:s1], [sflag:$0x1] =	stream.indirect_vreg.gather [hbm4b:s13+s3], $0x80, v2, vm0, $0xb8;
	[tilespmem:$0x12000] =	vst v63  }
0x87: {  	s1 =	simm.s32 $0x7000  }
0x88: {  	[tilespmem:s1], [sflag:$0x1] =	stream.indirect_vreg.gather [hbm4b:s14+s3], $0x80, v2, vm0, $0xb8;
	[tilespmem:$0x12000] =	vst v63  }
0x89: {  	s1 =	simm.s32 $0x7800  }
0x8a: {  	[tilespmem:s1], [sflag:$0x1] =	stream.indirect_vreg.gather [hbm4b:s15+s3], $0x80, v2, vm0, $0xb8;
	[tilespmem:$0x12000] =	vst v63  }
0x8b: {  	s1 =	simm.s32 $0x8000  }
0x8c: {  	[tilespmem:s1], [sflag:$0x1] =	stream.indirect_vreg.gather [hbm4b:s16+s3], $0x80, v2, vm0, $0xb8;
	[tilespmem:$0x12000] =	vst v63  }
0x8d: {  	s1 =	simm.s32 $0x8800  }
0x8e: {  	[tilespmem:s1], [sflag:$0x1] =	stream.indirect_vreg.gather [hbm4b:s17+s3], $0x80, v2, vm0, $0xb8;
	[tilespmem:$0x12000] =	vst v63  }
0x8f: {  	s1 =	simm.s32 $0x9000  }
0x90: {  	[tilespmem:s1], [sflag:$0x1] =	stream.indirect_vreg.gather [hbm4b:s18+s3], $0x80, v2, vm0, $0xb8;
	[tilespmem:$0x12000] =	vst v63  }
0x91: {  	s1 =	simm.s32 $0x9800  }
0x92: {  	[tilespmem:s1], [sflag:$0x1] =	stream.indirect_vreg.gather [hbm4b:s19+s3], $0x80, v2, vm0, $0xb8;
	[tilespmem:$0x12000] =	vst v63  }
0x93: {  	_ =	swait.ge [sflag:s22], $0x8000  }
0x94: {  	[sflag:s22] =	ssyncset.done $0x0  }
0x95: {  	s30 =	sadd.s32 $0x40, s24;
	s1 =	simm.s32 $0xA000;
	[sflag:s22] =	ssyncadd.s32 $0xFFFF8000  }
0x96: {  	[hbm4b:s30+s4] =	stream.strided.scatter [tilespmem:s1], [sflag:$0x4], $0x8000, s20, s4, $0x38;
	[tilespmem:$0x12000] =	vst v63  }
0x97: {  	_ =	swait.ge [sflag:s23], $0x8000  }
0x98: {  	[sflag:s23] =	ssyncset.done $0x0  }
0x99: {  	[sflag:s23] =	ssyncadd.s32 $0xFFFF8000  }
0x9a: {  	v2 =	vld.msk [tilespmem:s28+$0x180], $0xf;
	_ =	sdelay $0x4  }
0x9b: {  	v3 =	vshll.u32 v2, $0x6  }
0x9c: {  	v2 =	vand.u32 $0x7, v2;
	v3 =	vand.u32 $0xFFFFFE00, v3  }
0x9d: {  	v2 =	vor.u32 v2, v3  }
0x9e: {  	v2 =	vperm.xlane v2, v0;
	_ =	sdelay $0x1  }
0x9f: {  	v2 =	vadd.s32 v1, v2;
	_ =	sdelay $0x4  }
0xa0: {  	[tilespmem:s1], [sflag:$0x2] =	stream.indirect_vreg.gather [hbm4b:s25+s3], $0x80, v2, vm0, $0xb8;
	[tilespmem:$0x12000] =	vst v63  }
0xa1: {  	s1 =	simm.s32 $0xA800  }
0xa2: {  	[tilespmem:s1], [sflag:$0x2] =	stream.indirect_vreg.gather [hbm4b:s5+s3], $0x80, v2, vm0, $0xb8;
	[tilespmem:$0x12000] =	vst v63  }
0xa3: {  	s1 =	simm.s32 $0xB000  }
0xa4: {  	[tilespmem:s1], [sflag:$0x2] =	stream.indirect_vreg.gather [hbm4b:s6+s3], $0x80, v2, vm0, $0xb8;
	[tilespmem:$0x12000] =	vst v63  }
0xa5: {  	s1 =	simm.s32 $0xB800  }
0xa6: {  	[tilespmem:s1], [sflag:$0x2] =	stream.indirect_vreg.gather [hbm4b:s7+s3], $0x80, v2, vm0, $0xb8;
	[tilespmem:$0x12000] =	vst v63  }
0xa7: {  	s1 =	simm.s32 $0xC000  }
0xa8: {  	[tilespmem:s1], [sflag:$0x2] =	stream.indirect_vreg.gather [hbm4b:s8+s3], $0x80, v2, vm0, $0xb8;
	[tilespmem:$0x12000] =	vst v63  }
0xa9: {  	s1 =	simm.s32 $0xC800  }
0xaa: {  	[tilespmem:s1], [sflag:$0x2] =	stream.indirect_vreg.gather [hbm4b:s9+s3], $0x80, v2, vm0, $0xb8;
	[tilespmem:$0x12000] =	vst v63  }
0xab: {  	s1 =	simm.s32 $0xD000  }
0xac: {  	[tilespmem:s1], [sflag:$0x2] =	stream.indirect_vreg.gather [hbm4b:s10+s3], $0x80, v2, vm0, $0xb8;
	[tilespmem:$0x12000] =	vst v63  }
0xad: {  	s1 =	simm.s32 $0xD800  }
0xae: {  	[tilespmem:s1], [sflag:$0x2] =	stream.indirect_vreg.gather [hbm4b:s11+s3], $0x80, v2, vm0, $0xb8;
	[tilespmem:$0x12000] =	vst v63  }
0xaf: {  	s1 =	simm.s32 $0xE000  }
0xb0: {  	[tilespmem:s1], [sflag:$0x2] =	stream.indirect_vreg.gather [hbm4b:s12+s3], $0x80, v2, vm0, $0xb8;
	[tilespmem:$0x12000] =	vst v63  }
0xb1: {  	s1 =	simm.s32 $0xE800  }
0xb2: {  	[tilespmem:s1], [sflag:$0x2] =	stream.indirect_vreg.gather [hbm4b:s13+s3], $0x80, v2, vm0, $0xb8;
	[tilespmem:$0x12000] =	vst v63  }
0xb3: {  	s1 =	simm.s32 $0xF000  }
0xb4: {  	[tilespmem:s1], [sflag:$0x2] =	stream.indirect_vreg.gather [hbm4b:s14+s3], $0x80, v2, vm0, $0xb8;
	[tilespmem:$0x12000] =	vst v63  }
0xb5: {  	s1 =	simm.s32 $0xF800  }
0xb6: {  	[tilespmem:s1], [sflag:$0x2] =	stream.indirect_vreg.gather [hbm4b:s15+s3], $0x80, v2, vm0, $0xb8;
	[tilespmem:$0x12000] =	vst v63  }
0xb7: {  	s1 =	simm.s32 $0x10000  }
0xb8: {  	[tilespmem:s1], [sflag:$0x2] =	stream.indirect_vreg.gather [hbm4b:s16+s3], $0x80, v2, vm0, $0xb8;
	[tilespmem:$0x12000] =	vst v63  }
0xb9: {  	p0 =	sne.s32 s26, $0x7800;
	s1 =	simm.s32 $0x10800  }
0xba: {  	[tilespmem:s1], [sflag:$0x2] =	stream.indirect_vreg.gather [hbm4b:s17+s3], $0x80, v2, vm0, $0xb8;
	[tilespmem:$0x12000] =	vst v63  }
.Ltmp0:
0xbb: {  	s29 =	simm.s32 $0x2000;
	(pc) =	sbr.rel @p0 .LBB2_2-.Ltmp0, $4  }
0xbc: {  	s26 =	sadd.s32 $0x400, s26;
	s24 =	sadd.s32 $0x2000, s24;
	s1 =	simm.s32 $0x11000  }
0xbd: {  	[tilespmem:s1], [sflag:$0x2] =	stream.indirect_vreg.gather [hbm4b:s18+s3], $0x80, v2, vm0, $0xb8;
	[tilespmem:$0x12000] =	vst v63  }
0xbe: {  	s30 =	simm.s32 $0x2800;
	s28 =	simm.s32 $0xA000;
	s1 =	simm.s32 $0x11800  }
0xbf: {  	[tilespmem:s1], [sflag:$0x2] =	stream.indirect_vreg.gather [hbm4b:s19+s3], $0x80, v2, vm0, $0xb8;
	[tilespmem:$0x12000] =	vst v63  }
0xc0: {  	_ =	swait.ge [sflag:s0], $0x8000  }
0xc1: {  	[sflag:s0] =	ssyncset.done $0x0  }
0xc2: {  	s24 =	rddreg [dreg:$0x5];
	[sflag:s0] =	ssyncadd.s32 $0xFFFF8000  }
0xc3: {  	[hbm4b:s24+s4] =	stream.strided.scatter [tilespmem:s29], [sflag:$0x3], $0x8000, s20, s4, $0x38;
	[tilespmem:$0x12000] =	vst v63  }
0xc4: {  	_ =	swait.ge [sflag:s22], $0x8000  }
0xc5: {  	[sflag:s22] =	ssyncset.done $0x0  }
0xc6: {  	s25 =	rddreg [dreg:$0x6];
	[sflag:s22] =	ssyncadd.s32 $0xFFFF8000  }
0xc7: {  	[hbm4b:s25+s4] =	stream.strided.scatter [tilespmem:s28], [sflag:$0x4], $0x8000, s20, s4, $0x38;
	[tilespmem:$0x12000] =	vst v63  }
0xc8: {  	_ =	swait.ge [sflag:s21], $0x8000  }
0xc9: {  	[sflag:s21] =	ssyncset.done $0x0  }
0xca: {  	[sflag:s21] =	ssyncadd.s32 $0xFFFF8000  }
0xcb: {  	_ =	swait.ge [sflag:s23], $0x8000  }
0xcc: {  	s1 =	rddreg [dreg:$0x9]  }
0xcd: {  	s26 =	rddreg [dreg:$0x7];
	s1 =	sadd.s32 $0x1, s1  }
0xce: {  	p0 =	sne.s32 s1, s26  }
.Ltmp1:
0xcf: {  	_ = 	snop;
	(pc) =	sbr.rel @p0 .LBB2_1-.Ltmp1, $3  }
0xd0: {  	_ =	sdelay $0x1  }
0xd1: {  	s2 =	simm.s32 $0x4000;
	s25 =	simm.s32 $0x5000;
	[sflag:s23] =	ssyncset.done $0x0  }
0xd2: {  	[sflag:s23] =	ssyncadd.s32 $0xFFFF8000;
	[dreg:$0x9] =	wrdreg s1;
	s1 =	simm.s32 $0x3800  }
0xd3: {  	_ =	sfence.sel $0x180000  }
0xd4: {  	[bflag:$0x0] =	sbarrier.arrive $0xFFFF  }
0xd5: {  	_ =	strace $0x90000047  }
0xd6: {  	s0 =	stileid.u32;
	[bflag:$0x2] =	sbarrier.arrive $0xFFFF  }
0xd7: {  	p0 =	sne.s32 s0, $0x0;
	s0 =	rddreg [dreg:$0x3]  }
0xd8: {  	s0 =	sadd.s32 @!p0 $0x100000, s0  }
0xd9: {  	[sflag:s0] =	ssyncadd.tile.s32 @!p0 $0x1;
	_ =	shalt  }
.Lfunc_end2:
_tile_overlayer_lowered:
.L_overlay_start_2:
0xda: {  	(tag) =	ssettag $0x2  }
0xdb: {  	s0 =	rddreg [dreg:$0x0];
	s2 =	stileid.u32  }
0xdc: {  	s1 =	rddreg [dreg:$0x1];
	p0 =	sne.s32 s2, $0x0  }
0xdd: {  	s3 =	rddreg [dreg:$0x2];
	[bflag:$0x3] =	sbarrier.arrive $0xFFFF;
	s2 =	simm.s32 @!p0 $0x1C05  }
0xde: {  	[timem:s3], [sflag:s2] =	dma.local @!p0 [hbm:s0], s1  }
0xdf: {  	s0 =	simm.s32 @!p0 $0x5  }
0xe0: {  	_ =	swait.ge @!p0 [sflag:s0], s1  }
0xe1: {  	s1 =	ssub.s32 @!p0 $0x0, s1;
	[sflag:s0] =	ssyncset.done @!p0 $0x0  }
0xe2: {  	[sflag:s0] =	ssyncadd.s32 @!p0 s1  }
0xe3: {  	[bflag:$0x3] =	sbarrier.arrive $0xFFFF  }
0xe4: {  	_ =	shalt  }

</sc_bundles>
